<compile_context>
chip_gen: v7x
topology: tpu7x:2x2x1
jax: 0.10.2.dev20260603
libtpu: 0.0.44.dev20260713+nightly
codegen_flags: <defaults>
</compile_context>

<pallas_src>
import functools

import jax
import jax.numpy as jnp
from jax import lax
from jax.experimental import pallas as pl
from jax.experimental.pallas import tpu as pltpu
from jax.experimental.pallas import tpu_sc as plsc

_D = 128
_B_TOTAL = 16384 * 200
_NW = 32
_B_PER_W = _B_TOTAL // _NW
_CHUNK = 400
_NCHUNK = _B_PER_W // _CHUNK
_NBUF = 2

_mesh = plsc.VectorSubcoreMesh(core_axis_name="c", subcore_axis_name="s")


@functools.partial(
    pl.kernel,
    mesh=_mesh,
    out_type=jax.ShapeDtypeStruct((_B_TOTAL, _D), jnp.float32),
    scratch_types=(
        [pltpu.VMEM((_CHUNK,), jnp.int32) for _ in range(_NBUF)]
        + [pltpu.VMEM((_CHUNK, _D), jnp.float32) for _ in range(_NBUF)]
        + [pltpu.SemaphoreType.DMA for _ in range(2 * _NBUF)]
    ),
)
def _gather_kernel(table_hbm, idx_hbm, out_hbm, *scratch):
    idx_v = scratch[:_NBUF]
    rows_v = scratch[_NBUF:2 * _NBUF]
    gsem = scratch[2 * _NBUF:3 * _NBUF]
    osem = scratch[3 * _NBUF:]

    wid = lax.axis_index("s") * 2 + lax.axis_index("c")
    base = wid * _B_PER_W

    for b in range(_NBUF):
        pltpu.sync_copy(idx_hbm.at[pl.ds(base + b * _CHUNK, _CHUNK)], idx_v[b])
        pltpu.async_copy(table_hbm.at[idx_v[b]], rows_v[b], gsem[b])

    def body(j, carry):
        for b in range(_NBUF):
            g = j * _NBUF + b
            off = base + g * _CHUNK
            pltpu.make_async_copy(
                table_hbm.at[idx_v[b]], rows_v[b], gsem[b]).wait()
            wcopy = pltpu.async_copy(
                rows_v[b], out_hbm.at[pl.ds(off, _CHUNK)], osem[b])
            pltpu.sync_copy(
                idx_hbm.at[pl.ds(off + _NBUF * _CHUNK, _CHUNK)], idx_v[b])
            wcopy.wait()
            pltpu.async_copy(table_hbm.at[idx_v[b]], rows_v[b], gsem[b])
        return carry

    lax.fori_loop(0, _NCHUNK // _NBUF - 1, body, 0)

    for b in range(_NBUF):
        g = _NCHUNK - _NBUF + b
        off = base + g * _CHUNK
        pltpu.make_async_copy(
            table_hbm.at[idx_v[b]], rows_v[b], gsem[b]).wait()
        pltpu.sync_copy(rows_v[b], out_hbm.at[pl.ds(off, _CHUNK)])


def kernel(token_ids, weight):
    flat = token_ids.reshape(-1).astype(jnp.int32)
    out = _gather_kernel(weight, flat)
    return out.reshape(token_ids.shape + (_D,))

# --- scband reference (transcript-rebuilt; emitter-appended) ---
"""Pipeline reference for scband-embedding-12326556139774 (READ-ONLY COPY).

The authoritative reference and input builder live on the scoring server;
editing this copy changes nothing except your own understanding.
"""

import jax, jax.numpy as jnp
import numpy as np

NUM_EMBEDDINGS = 100000
EMBEDDING_DIM = 128

def setup_inputs(seed: int = 0) -> dict:
    key = jax.random.key(seed)
    k1, k2 = jax.random.split(key)
    token_ids = jax.random.randint(k1, (16384, 200), 0, NUM_EMBEDDINGS, dtype=jnp.int64 if jax.config.jax_enable_x64 else jnp.int32)
    # trunc_normal init approximated with clipped normal (mean 0, std 1, clip [-3, 3])
    weight = jnp.clip(jax.random.normal(k2, (NUM_EMBEDDINGS, EMBEDDING_DIM), dtype=jnp.float32), -3.0, 3.0)
    return {"token_ids": token_ids, "weight": weight}

def reference(token_ids, weight):
    # weight[token_ids, :] -> gather rows of the embedding table
    return jnp.take(weight, token_ids, axis=0)

if __name__ == "__main__":
    import jax
    _d = setup_inputs()
    print(jax.jit(kernel)(*tuple(_d.values())))

</pallas_src>

<mosaic_0001>
#map = affine_map<(d0, d1) -> (0, 0)>
#map1 = affine_map<(d0, d1) -> (0)>
module attributes {stable_mosaic.version = 14 : i64} {
  func.func @_gather_kernel(%arg0: i32, %arg1: i32, %arg2: memref<100000x128xf32, #tpu.memory_space<hbm>>, %arg3: memref<3276800xi32, #tpu.memory_space<hbm>>, %arg4: memref<3276800x128xf32, #tpu.memory_space<hbm>>, %arg5: memref<400xi32, #tpu.memory_space<vmem>>, %arg6: memref<400xi32, #tpu.memory_space<vmem>>, %arg7: memref<400x128xf32, #tpu.memory_space<vmem>>, %arg8: memref<400x128xf32, #tpu.memory_space<vmem>>, %arg9: memref<!tpu.dma_semaphore, #tpu.memory_space<semaphore_mem>>, %arg10: memref<!tpu.dma_semaphore, #tpu.memory_space<semaphore_mem>>, %arg11: memref<!tpu.dma_semaphore, #tpu.memory_space<semaphore_mem>>, %arg12: memref<!tpu.dma_semaphore, #tpu.memory_space<semaphore_mem>>) attributes {dimension_semantics = [#tpu.dimension_semantics<core_parallel>, #tpu.dimension_semantics<subcore_parallel>], iteration_bounds = array<i64: 2, 16>, scalar_prefetch = 0 : i64, scratch_operands = 8 : i64, tpu.core_type = #tpu.core_type<sc_vector_subcore>, window_params = [{transform_indices = #map}, {transform_indices = #map1}, {transform_indices = #map}]} {
    %mul3A = arith.constant 2 : i32
    %mul3A_0 = arith.muli %arg1, %mul3A : i32
    %add3A = arith.addi %mul3A_0, %arg0 : i32
    %mul3A_1 = arith.constant 102400 : i32
    %mul3A_2 = arith.muli %add3A, %mul3A_1 : i32
    %add3A_3 = arith.constant 0 : i32
    %add3A_4 = arith.addi %mul3A_2, %add3A_3 : i32
    "tpu.region"() ({
      %run_scoped3A = tpu.sem_alloc : memref<!tpu.dma_semaphore, #tpu.memory_space<semaphore_mem>>
      %dma_start3A_26 = tpu.memref_slice %arg3[%add3A_4] : memref<3276800xi32, #tpu.memory_space<hbm>> -> memref<400xi32, #tpu.memory_space<hbm>>
      %dma_start3A_27 = tpu.memref_slice %arg3[%add3A_4] : memref<3276800xi32, #tpu.memory_space<hbm>> -> memref<400xi32, #tpu.memory_space<hbm>>
      tpu.enqueue_dma source(%dma_start3A_27 : memref<400xi32, #tpu.memory_space<hbm>>) target(%arg5 : memref<400xi32, #tpu.memory_space<vmem>>) target_semaphore(%run_scoped3A : memref<!tpu.dma_semaphore, #tpu.memory_space<semaphore_mem>>)
      %dma_wait3A_28 = tpu.memref_slice %arg3[%add3A_4] : memref<3276800xi32, #tpu.memory_space<hbm>> -> memref<400xi32, #tpu.memory_space<hbm>>
      %dma_wait3A_29 = tpu.memref_slice %arg3[%add3A_4] : memref<3276800xi32, #tpu.memory_space<hbm>> -> memref<400xi32, #tpu.memory_space<hbm>>
      tpu.wait_dma2 semaphore(%run_scoped3A : memref<!tpu.dma_semaphore, #tpu.memory_space<semaphore_mem>>) src(%dma_wait3A_29 : memref<400xi32, #tpu.memory_space<hbm>>) dst(%arg5 : memref<400xi32, #tpu.memory_space<vmem>>)
      tpu.yield
    }) : () -> ()
    %dma_start3A = arith.constant 0 : i32
    %dma_start3A_5 = arith.constant 0 : i32
    %dma_start3A_6 = tpu.memref_slice %arg2[%dma_start3A, %dma_start3A_5] : memref<100000x128xf32, #tpu.memory_space<hbm>> -> memref<100000x128xf32, #tpu.memory_space<hbm>>
    tpu.enqueue_indirect_dma source(%dma_start3A_6 : memref<100000x128xf32, #tpu.memory_space<hbm>>) target(%arg7 : memref<400x128xf32, #tpu.memory_space<vmem>>) offsets(%arg5 : memref<400xi32, #tpu.memory_space<vmem>>) semaphore(%arg9 : memref<!tpu.dma_semaphore, #tpu.memory_space<semaphore_mem>>)
    %add3A_7 = arith.constant 400 : i32
    %add3A_8 = arith.addi %mul3A_2, %add3A_7 : i32
    "tpu.region"() ({
      %run_scoped3A = tpu.sem_alloc : memref<!tpu.dma_semaphore, #tpu.memory_space<semaphore_mem>>
      %dma_start3A_26 = tpu.memref_slice %arg3[%add3A_8] : memref<3276800xi32, #tpu.memory_space<hbm>> -> memref<400xi32, #tpu.memory_space<hbm>>
      %dma_start3A_27 = tpu.memref_slice %arg3[%add3A_8] : memref<3276800xi32, #tpu.memory_space<hbm>> -> memref<400xi32, #tpu.memory_space<hbm>>
      tpu.enqueue_dma source(%dma_start3A_27 : memref<400xi32, #tpu.memory_space<hbm>>) target(%arg6 : memref<400xi32, #tpu.memory_space<vmem>>) target_semaphore(%run_scoped3A : memref<!tpu.dma_semaphore, #tpu.memory_space<semaphore_mem>>)
      %dma_wait3A_28 = tpu.memref_slice %arg3[%add3A_8] : memref<3276800xi32, #tpu.memory_space<hbm>> -> memref<400xi32, #tpu.memory_space<hbm>>
      %dma_wait3A_29 = tpu.memref_slice %arg3[%add3A_8] : memref<3276800xi32, #tpu.memory_space<hbm>> -> memref<400xi32, #tpu.memory_space<hbm>>
      tpu.wait_dma2 semaphore(%run_scoped3A : memref<!tpu.dma_semaphore, #tpu.memory_space<semaphore_mem>>) src(%dma_wait3A_29 : memref<400xi32, #tpu.memory_space<hbm>>) dst(%arg6 : memref<400xi32, #tpu.memory_space<vmem>>)
      tpu.yield
    }) : () -> ()
    %dma_start3A_9 = arith.constant 0 : i32
    %dma_start3A_10 = arith.constant 0 : i32
    %dma_start3A_11 = tpu.memref_slice %arg2[%dma_start3A_9, %dma_start3A_10] : memref<100000x128xf32, #tpu.memory_space<hbm>> -> memref<100000x128xf32, #tpu.memory_space<hbm>>
    tpu.enqueue_indirect_dma source(%dma_start3A_11 : memref<100000x128xf32, #tpu.memory_space<hbm>>) target(%arg8 : memref<400x128xf32, #tpu.memory_space<vmem>>) offsets(%arg6 : memref<400xi32, #tpu.memory_space<vmem>>) semaphore(%arg10 : memref<!tpu.dma_semaphore, #tpu.memory_space<semaphore_mem>>)
    %scan3A = arith.constant 0 : i32
    %scan3A_12 = arith.constant 0 : i32
    %scan3A_13 = arith.constant 127 : i32
    %scan3A_14 = arith.addi %scan3A_12, %scan3A_13 : i32
    %scan3A_15 = arith.constant 1 : i32
    scf.for %scan3A_26 = %scan3A_12 to %scan3A_14 step %scan3A_15  : i32 {
      %mul3A_27 = arith.constant 2 : i32
      %mul3A_28 = arith.muli %scan3A_26, %mul3A_27 : i32
      %add3A_29 = arith.constant 0 : i32
      %add3A_30 = arith.addi %mul3A_28, %add3A_29 : i32
      %mul3A_31 = arith.constant 400 : i32
      %mul3A_32 = arith.muli %add3A_30, %mul3A_31 : i32
      %add3A_33 = arith.addi %mul3A_2, %mul3A_32 : i32
      %dma_wait3A_34 = arith.constant 0 : i32
      %dma_wait3A_35 = arith.constant 0 : i32
      %dma_wait3A_36 = tpu.memref_slice %arg2[%dma_wait3A_34, %dma_wait3A_35] : memref<100000x128xf32, #tpu.memory_space<hbm>> -> memref<100000x128xf32, #tpu.memory_space<hbm>>
      tpu.wait_indirect_dma semaphore(%arg9 : memref<!tpu.dma_semaphore, #tpu.memory_space<semaphore_mem>>) src(%dma_wait3A_36 : memref<100000x128xf32, #tpu.memory_space<hbm>>) dst(%arg7 : memref<400x128xf32, #tpu.memory_space<vmem>>)
      %dma_start3A_37 = arith.constant 0 : i32
      %dma_start3A_38 = tpu.memref_slice %arg4[%add3A_33, %dma_start3A_37] : memref<3276800x128xf32, #tpu.memory_space<hbm>> -> memref<400x128xf32, #tpu.memory_space<hbm>>
      %dma_start3A_39 = arith.constant 0 : i32
      %dma_start3A_40 = tpu.memref_slice %arg4[%add3A_33, %dma_start3A_39] : memref<3276800x128xf32, #tpu.memory_space<hbm>> -> memref<400x128xf32, #tpu.memory_space<hbm>>
      tpu.enqueue_dma source(%arg7 : memref<400x128xf32, #tpu.memory_space<vmem>>) target(%dma_start3A_40 : memref<400x128xf32, #tpu.memory_space<hbm>>) target_semaphore(%arg11 : memref<!tpu.dma_semaphore, #tpu.memory_space<semaphore_mem>>)
      %add3A_41 = arith.constant 800 : i32
      %add3A_42 = arith.addi %add3A_33, %add3A_41 : i32
      "tpu.region"() ({
        %run_scoped3A = tpu.sem_alloc : memref<!tpu.dma_semaphore, #tpu.memory_space<semaphore_mem>>
        %dma_start3A_73 = tpu.memref_slice %arg3[%add3A_42] : memref<3276800xi32, #tpu.memory_space<hbm>> -> memref<400xi32, #tpu.memory_space<hbm>>
        %dma_start3A_74 = tpu.memref_slice %arg3[%add3A_42] : memref<3276800xi32, #tpu.memory_space<hbm>> -> memref<400xi32, #tpu.memory_space<hbm>>
        tpu.enqueue_dma source(%dma_start3A_74 : memref<400xi32, #tpu.memory_space<hbm>>) target(%arg5 : memref<400xi32, #tpu.memory_space<vmem>>) target_semaphore(%run_scoped3A : memref<!tpu.dma_semaphore, #tpu.memory_space<semaphore_mem>>)
        %dma_wait3A_75 = tpu.memref_slice %arg3[%add3A_42] : memref<3276800xi32, #tpu.memory_space<hbm>> -> memref<400xi32, #tpu.memory_space<hbm>>
        %dma_wait3A_76 = tpu.memref_slice %arg3[%add3A_42] : memref<3276800xi32, #tpu.memory_space<hbm>> -> memref<400xi32, #tpu.memory_space<hbm>>
        tpu.wait_dma2 semaphore(%run_scoped3A : memref<!tpu.dma_semaphore, #tpu.memory_space<semaphore_mem>>) src(%dma_wait3A_76 : memref<400xi32, #tpu.memory_space<hbm>>) dst(%arg5 : memref<400xi32, #tpu.memory_space<vmem>>)
        tpu.yield
      }) : () -> ()
      %dma_wait3A_43 = arith.constant 0 : i32
      %dma_wait3A_44 = tpu.memref_slice %arg4[%add3A_33, %dma_wait3A_43] : memref<3276800x128xf32, #tpu.memory_space<hbm>> -> memref<400x128xf32, #tpu.memory_space<hbm>>
      %dma_wait3A_45 = arith.constant 0 : i32
      %dma_wait3A_46 = tpu.memref_slice %arg4[%add3A_33, %dma_wait3A_45] : memref<3276800x128xf32, #tpu.memory_space<hbm>> -> memref<400x128xf32, #tpu.memory_space<hbm>>
      tpu.wait_dma2 semaphore(%arg11 : memref<!tpu.dma_semaphore, #tpu.memory_space<semaphore_mem>>) src(%arg7 : memref<400x128xf32, #tpu.memory_space<vmem>>) dst(%dma_wait3A_46 : memref<400x128xf32, #tpu.memory_space<hbm>>)
      %dma_start3A_47 = arith.constant 0 : i32
      %dma_start3A_48 = arith.constant 0 : i32
      %dma_start3A_49 = tpu.memref_slice %arg2[%dma_start3A_47, %dma_start3A_48] : memref<100000x128xf32, #tpu.memory_space<hbm>> -> memref<100000x128xf32, #tpu.memory_space<hbm>>
      tpu.enqueue_indirect_dma source(%dma_start3A_49 : memref<100000x128xf32, #tpu.memory_space<hbm>>) target(%arg7 : memref<400x128xf32, #tpu.memory_space<vmem>>) offsets(%arg5 : memref<400xi32, #tpu.memory_space<vmem>>) semaphore(%arg9 : memref<!tpu.dma_semaphore, #tpu.memory_space<semaphore_mem>>)
      %mul3A_50 = arith.constant 2 : i32
      %mul3A_51 = arith.muli %scan3A_26, %mul3A_50 : i32
      %add3A_52 = arith.constant 1 : i32
      %add3A_53 = arith.addi %mul3A_51, %add3A_52 : i32
      %mul3A_54 = arith.constant 400 : i32
      %mul3A_55 = arith.muli %add3A_53, %mul3A_54 : i32
      %add3A_56 = arith.addi %mul3A_2, %mul3A_55 : i32
      %dma_wait3A_57 = arith.constant 0 : i32
      %dma_wait3A_58 = arith.constant 0 : i32
      %dma_wait3A_59 = tpu.memref_slice %arg2[%dma_wait3A_57, %dma_wait3A_58] : memref<100000x128xf32, #tpu.memory_space<hbm>> -> memref<100000x128xf32, #tpu.memory_space<hbm>>
      tpu.wait_indirect_dma semaphore(%arg10 : memref<!tpu.dma_semaphore, #tpu.memory_space<semaphore_mem>>) src(%dma_wait3A_59 : memref<100000x128xf32, #tpu.memory_space<hbm>>) dst(%arg8 : memref<400x128xf32, #tpu.memory_space<vmem>>)
      %dma_start3A_60 = arith.constant 0 : i32
      %dma_start3A_61 = tpu.memref_slice %arg4[%add3A_56, %dma_start3A_60] : memref<3276800x128xf32, #tpu.memory_space<hbm>> -> memref<400x128xf32, #tpu.memory_space<hbm>>
      %dma_start3A_62 = arith.constant 0 : i32
      %dma_start3A_63 = tpu.memref_slice %arg4[%add3A_56, %dma_start3A_62] : memref<3276800x128xf32, #tpu.memory_space<hbm>> -> memref<400x128xf32, #tpu.memory_space<hbm>>
      tpu.enqueue_dma source(%arg8 : memref<400x128xf32, #tpu.memory_space<vmem>>) target(%dma_start3A_63 : memref<400x128xf32, #tpu.memory_space<hbm>>) target_semaphore(%arg12 : memref<!tpu.dma_semaphore, #tpu.memory_space<semaphore_mem>>)
      %add3A_64 = arith.constant 800 : i32
      %add3A_65 = arith.addi %add3A_56, %add3A_64 : i32
      "tpu.region"() ({
        %run_scoped3A = tpu.sem_alloc : memref<!tpu.dma_semaphore, #tpu.memory_space<semaphore_mem>>
        %dma_start3A_73 = tpu.memref_slice %arg3[%add3A_65] : memref<3276800xi32, #tpu.memory_space<hbm>> -> memref<400xi32, #tpu.memory_space<hbm>>
        %dma_start3A_74 = tpu.memref_slice %arg3[%add3A_65] : memref<3276800xi32, #tpu.memory_space<hbm>> -> memref<400xi32, #tpu.memory_space<hbm>>
        tpu.enqueue_dma source(%dma_start3A_74 : memref<400xi32, #tpu.memory_space<hbm>>) target(%arg6 : memref<400xi32, #tpu.memory_space<vmem>>) target_semaphore(%run_scoped3A : memref<!tpu.dma_semaphore, #tpu.memory_space<semaphore_mem>>)
        %dma_wait3A_75 = tpu.memref_slice %arg3[%add3A_65] : memref<3276800xi32, #tpu.memory_space<hbm>> -> memref<400xi32, #tpu.memory_space<hbm>>
        %dma_wait3A_76 = tpu.memref_slice %arg3[%add3A_65] : memref<3276800xi32, #tpu.memory_space<hbm>> -> memref<400xi32, #tpu.memory_space<hbm>>
        tpu.wait_dma2 semaphore(%run_scoped3A : memref<!tpu.dma_semaphore, #tpu.memory_space<semaphore_mem>>) src(%dma_wait3A_76 : memref<400xi32, #tpu.memory_space<hbm>>) dst(%arg6 : memref<400xi32, #tpu.memory_space<vmem>>)
        tpu.yield
      }) : () -> ()
      %dma_wait3A_66 = arith.constant 0 : i32
      %dma_wait3A_67 = tpu.memref_slice %arg4[%add3A_56, %dma_wait3A_66] : memref<3276800x128xf32, #tpu.memory_space<hbm>> -> memref<400x128xf32, #tpu.memory_space<hbm>>
      %dma_wait3A_68 = arith.constant 0 : i32
      %dma_wait3A_69 = tpu.memref_slice %arg4[%add3A_56, %dma_wait3A_68] : memref<3276800x128xf32, #tpu.memory_space<hbm>> -> memref<400x128xf32, #tpu.memory_space<hbm>>
      tpu.wait_dma2 semaphore(%arg12 : memref<!tpu.dma_semaphore, #tpu.memory_space<semaphore_mem>>) src(%arg8 : memref<400x128xf32, #tpu.memory_space<vmem>>) dst(%dma_wait3A_69 : memref<400x128xf32, #tpu.memory_space<hbm>>)
      %dma_start3A_70 = arith.constant 0 : i32
      %dma_start3A_71 = arith.constant 0 : i32
      %dma_start3A_72 = tpu.memref_slice %arg2[%dma_start3A_70, %dma_start3A_71] : memref<100000x128xf32, #tpu.memory_space<hbm>> -> memref<100000x128xf32, #tpu.memory_space<hbm>>
      tpu.enqueue_indirect_dma source(%dma_start3A_72 : memref<100000x128xf32, #tpu.memory_space<hbm>>) target(%arg8 : memref<400x128xf32, #tpu.memory_space<vmem>>) offsets(%arg6 : memref<400xi32, #tpu.memory_space<vmem>>) semaphore(%arg10 : memref<!tpu.dma_semaphore, #tpu.memory_space<semaphore_mem>>)
    }
    %scan3A_16 = arith.constant 127 : i32
    %add3A_17 = arith.constant 101600 : i32
    %add3A_18 = arith.addi %mul3A_2, %add3A_17 : i32
    %dma_wait3A = arith.constant 0 : i32
    %dma_wait3A_19 = arith.constant 0 : i32
    %dma_wait3A_20 = tpu.memref_slice %arg2[%dma_wait3A, %dma_wait3A_19] : memref<100000x128xf32, #tpu.memory_space<hbm>> -> memref<100000x128xf32, #tpu.memory_space<hbm>>
    tpu.wait_indirect_dma semaphore(%arg9 : memref<!tpu.dma_semaphore, #tpu.memory_space<semaphore_mem>>) src(%dma_wait3A_20 : memref<100000x128xf32, #tpu.memory_space<hbm>>) dst(%arg7 : memref<400x128xf32, #tpu.memory_space<vmem>>)
    "tpu.region"() ({
      %run_scoped3A = tpu.sem_alloc : memref<!tpu.dma_semaphore, #tpu.memory_space<semaphore_mem>>
      %dma_start3A_26 = arith.constant 0 : i32
      %dma_start3A_27 = tpu.memref_slice %arg4[%add3A_18, %dma_start3A_26] : memref<3276800x128xf32, #tpu.memory_space<hbm>> -> memref<400x128xf32, #tpu.memory_space<hbm>>
      %dma_start3A_28 = arith.constant 0 : i32
      %dma_start3A_29 = tpu.memref_slice %arg4[%add3A_18, %dma_start3A_28] : memref<3276800x128xf32, #tpu.memory_space<hbm>> -> memref<400x128xf32, #tpu.memory_space<hbm>>
      tpu.enqueue_dma source(%arg7 : memref<400x128xf32, #tpu.memory_space<vmem>>) target(%dma_start3A_29 : memref<400x128xf32, #tpu.memory_space<hbm>>) target_semaphore(%run_scoped3A : memref<!tpu.dma_semaphore, #tpu.memory_space<semaphore_mem>>)
      %dma_wait3A_30 = arith.constant 0 : i32
      %dma_wait3A_31 = tpu.memref_slice %arg4[%add3A_18, %dma_wait3A_30] : memref<3276800x128xf32, #tpu.memory_space<hbm>> -> memref<400x128xf32, #tpu.memory_space<hbm>>
      %dma_wait3A_32 = arith.constant 0 : i32
      %dma_wait3A_33 = tpu.memref_slice %arg4[%add3A_18, %dma_wait3A_32] : memref<3276800x128xf32, #tpu.memory_space<hbm>> -> memref<400x128xf32, #tpu.memory_space<hbm>>
      tpu.wait_dma2 semaphore(%run_scoped3A : memref<!tpu.dma_semaphore, #tpu.memory_space<semaphore_mem>>) src(%arg7 : memref<400x128xf32, #tpu.memory_space<vmem>>) dst(%dma_wait3A_33 : memref<400x128xf32, #tpu.memory_space<hbm>>)
      tpu.yield
    }) : () -> ()
    %add3A_21 = arith.constant 102000 : i32
    %add3A_22 = arith.addi %mul3A_2, %add3A_21 : i32
    %dma_wait3A_23 = arith.constant 0 : i32
    %dma_wait3A_24 = arith.constant 0 : i32
    %dma_wait3A_25 = tpu.memref_slice %arg2[%dma_wait3A_23, %dma_wait3A_24] : memref<100000x128xf32, #tpu.memory_space<hbm>> -> memref<100000x128xf32, #tpu.memory_space<hbm>>
    tpu.wait_indirect_dma semaphore(%arg10 : memref<!tpu.dma_semaphore, #tpu.memory_space<semaphore_mem>>) src(%dma_wait3A_25 : memref<100000x128xf32, #tpu.memory_space<hbm>>) dst(%arg8 : memref<400x128xf32, #tpu.memory_space<vmem>>)
    "tpu.region"() ({
      %run_scoped3A = tpu.sem_alloc : memref<!tpu.dma_semaphore, #tpu.memory_space<semaphore_mem>>
      %dma_start3A_26 = arith.constant 0 : i32
      %dma_start3A_27 = tpu.memref_slice %arg4[%add3A_22, %dma_start3A_26] : memref<3276800x128xf32, #tpu.memory_space<hbm>> -> memref<400x128xf32, #tpu.memory_space<hbm>>
      %dma_start3A_28 = arith.constant 0 : i32
      %dma_start3A_29 = tpu.memref_slice %arg4[%add3A_22, %dma_start3A_28] : memref<3276800x128xf32, #tpu.memory_space<hbm>> -> memref<400x128xf32, #tpu.memory_space<hbm>>
      tpu.enqueue_dma source(%arg8 : memref<400x128xf32, #tpu.memory_space<vmem>>) target(%dma_start3A_29 : memref<400x128xf32, #tpu.memory_space<hbm>>) target_semaphore(%run_scoped3A : memref<!tpu.dma_semaphore, #tpu.memory_space<semaphore_mem>>)
      %dma_wait3A_30 = arith.constant 0 : i32
      %dma_wait3A_31 = tpu.memref_slice %arg4[%add3A_22, %dma_wait3A_30] : memref<3276800x128xf32, #tpu.memory_space<hbm>> -> memref<400x128xf32, #tpu.memory_space<hbm>>
      %dma_wait3A_32 = arith.constant 0 : i32
      %dma_wait3A_33 = tpu.memref_slice %arg4[%add3A_22, %dma_wait3A_32] : memref<3276800x128xf32, #tpu.memory_space<hbm>> -> memref<400x128xf32, #tpu.memory_space<hbm>>
      tpu.wait_dma2 semaphore(%run_scoped3A : memref<!tpu.dma_semaphore, #tpu.memory_space<semaphore_mem>>) src(%arg8 : memref<400x128xf32, #tpu.memory_space<vmem>>) dst(%dma_wait3A_33 : memref<400x128xf32, #tpu.memory_space<hbm>>)
      tpu.yield
    }) : () -> ()
    return
  }
}

</mosaic_0001>

<sc_bundles>
// kernel: kernel.3.cloned.1.call-start
scs
__scs_entry_jumppad:
0x0: {  	(pc) =	sbr.rel $0x88, $3  }
0x1: {  	(tag) =	ssettag $0x0;
	lr =	simm.s32 $0x1  }
0x2: {  	[smem:$0x3F9F] =	sst lr;
	_ =	strace $0xD0000000  }
0x3: {  	_ = 	snop  }
0x4: {  	_ = 	snop  }
0x5: {  	_ = 	snop  }
0x6: {  	_ = 	snop  }
0x7: {  	_ = 	snop  }
__scs_overlays_trampoline_lowered:
0x8: {  	[smem:$0x3FAE] =	sst s0  }
0x9: {  	[smem:$0x3FAF] =	sst s1  }
0xa: {  	[smem:$0x3FB0] =	sst s2  }
0xb: {  	[smem:$0x3FB1] =	sst s3  }
0xc: {  	[smem:$0x3FB2] =	sst s4  }
0xd: {  	[smem:$0x3FB3] =	sst s5  }
0xe: {  	[smem:$0x3FB4] =	sst s6  }
0xf: {  	[smem:$0x3FB5] =	sst s7  }
0x10: {  	[smem:$0x3FB6] =	sst s8  }
0x11: {  	[smem:$0x3FB7] =	sst s9;
	s0 =	simm.s32 @!p0 $0x0  }
0x12: {  	s1 =	sld [smem:$0x3F9D];
	s0 =	simm.s32 @p0 $0x1  }
0x13: {  	[smem:$0x3FB8] =	sst s0;
	s0 =	simm.s32 @!p1 $0x0  }
0x14: {  	s2 =	sld [smem:$0x3F9C];
	s0 =	simm.s32 @p1 $0x1  }
0x15: {  	[smem:$0x3FB9] =	sst s0;
	s0 =	simm.s32 @!p2 $0x0  }
0x16: {  	s3 =	sld [smem:$0x3FDB];
	s0 =	simm.s32 @p2 $0x1  }
0x17: {  	s4 =	simm.s32 $0x1BF5;
	[smem:$0x3FBB] =	sst s0  }
0x18: {  	s0 =	sld [smem:$0x3F9E];
	_ =	swait.ge [sflag:s4], $0x0  }
0x19: {  	s7 =	sld [smem:$0x3F9F]  }
0x1a: {  	s8 =	sadd.s32 $0xFFFFE003, lr  }
0x1b: {  	s9 =	sadd.s32 $0xFFFFFEF7, lr;
	s5 =	simm.s32 $0xFFFFFFFF;
	p2 =	slt.u32 s8, $0xFFFFF086  }
0x1c: {  	p1 =	slt.u32 s9, $0xF7A;
	s5 =	simm.s32 @!p2 $0x0  }
0x1d: {  	s5 =	simm.s32 @p1 $0x1;
	p0 =	seq.s32 s7, s2  }
0x1e: {  	s7 =	smul.u32 @!p0 $0xF7A, s2;
	p2 =	seq.s32 @!p0 s5, $0x0  }
0x1f: {  	s9 =	smul.u32 $0xF7A, s1;
	s8 =	simm.s32 @!p0 $0x1BF5;
	p2 =	por !p2, p0  }
0x20: {  	[sflag:s8] =	ssyncset.s32 @!p0 $0xFFFFF086;
	s6 =	sadd.s32 @!p0 s3, s7;
	s7 =	simm.s32 @!p0 $0x108  }
0x21: {  	s3 =	sadd.s32 s3, s9;
	s6 =	sadd.s32 @!p0 $0x88, s6;
	s7 =	simm.s32 @p2 $0x1082  }
0x22: {  	[simem:s7], [sflag:s8] =	dma.local @!p0 [hbm:s6], $0xF7A  }
0x23: {  	s9 =	sor.u32 $0xD0000000, s2;
	s6 =	simm.s32 $0x108;
	_ =	swait.ge @!p0 [sflag:s8], $0x0  }
0x24: {  	s3 =	sadd.s32 $0x88, s3;
	s6 =	simm.s32 @!p1 $0x1082;
	[sflag:s4] =	ssyncset.s32 $0xFFFFF086  }
0x25: {  	[simem:s6], [sflag:s4] =	dma.local [hbm:s3], $0xF7A  }
0x26: {  	[smem:$0x3F9F] =	sst s1;
	(tag) =	ssettag s2;
	_ =	strace s9  }
0x27: {  	s1 =	sld [smem:$0x3FAF]  }
0x28: {  	s2 =	sld [smem:$0x3FB0]  }
0x29: {  	s4 =	sld [smem:$0x3FB2]  }
0x2a: {  	p0 =	seq.s32 s5, $0x0;
	s5 =	sld [smem:$0x3FB3]  }
0x2b: {  	s6 =	sld [smem:$0x3FB4]  }
0x2c: {  	s7 =	sld [smem:$0x3FB5]  }
0x2d: {  	s3 =	simm.s32 $0x108;
	s8 =	sld [smem:$0x3FB6]  }
0x2e: {  	s3 =	simm.s32 @!p0 $0x1082;
	s9 =	sld [smem:$0x3FB7]  }
0x2f: {  	lr =	sadd.s32 s0, s3;
	s0 =	sld [smem:$0x3FAE]  }
0x30: {  	s3 =	sld [smem:$0x3FB1]  }
0x31: {  	[smem:$0x3FBA] =	sst s10  }
0x32: {  	s10 =	sld [smem:$0x3FB8];
	_ =	sdelay $0x3  }
0x33: {  	p0 =	seq.s32 s10, $0x1;
	s10 =	sld [smem:$0x3FBA];
	_ =	sdelay $0x3  }
0x34: {  	[smem:$0x3FBA] =	sst s10  }
0x35: {  	s10 =	sld [smem:$0x3FB9];
	_ =	sdelay $0x3  }
0x36: {  	p1 =	seq.s32 s10, $0x1;
	s10 =	sld [smem:$0x3FBA];
	_ =	sdelay $0x3  }
0x37: {  	[smem:$0x3FBA] =	sst s10  }
0x38: {  	s10 =	sld [smem:$0x3FBB]  }
0x39: {  	_ = 	snop;
	(pc) =	sbr.ind lr, $3  }
0x3a: {  	_ = 	snop  }
0x3b: {  	_ = 	snop  }
0x3c: {  	p2 =	seq.s32 s10, $0x1;
	s10 =	sld [smem:$0x3FBA]  }
0x3d: {  	_ =	shalt  }
0x3e: {  	_ =	shalt  }
0x3f: {  	_ =	shalt  }
0x40: {  	_ =	shalt  }
0x41: {  	_ =	shalt  }
0x42: {  	_ =	shalt  }
0x43: {  	_ =	shalt  }
0x44: {  	_ =	shalt  }
0x45: {  	_ =	shalt  }
0x46: {  	_ =	shalt  }
0x47: {  	_ =	shalt  }
0x48: {  	_ =	shalt  }
0x49: {  	_ =	shalt  }
0x4a: {  	_ =	shalt  }
0x4b: {  	_ =	shalt  }
0x4c: {  	_ =	shalt  }
0x4d: {  	_ =	shalt  }
0x4e: {  	_ =	shalt  }
0x4f: {  	_ =	shalt  }
0x50: {  	_ =	shalt  }
0x51: {  	_ =	shalt  }
0x52: {  	_ =	shalt  }
0x53: {  	_ =	shalt  }
0x54: {  	_ =	shalt  }
0x55: {  	_ =	shalt  }
0x56: {  	_ =	shalt  }
0x57: {  	_ =	shalt  }
0x58: {  	_ =	shalt  }
0x59: {  	_ =	shalt  }
0x5a: {  	_ =	shalt  }
0x5b: {  	_ =	shalt  }
0x5c: {  	_ =	shalt  }
0x5d: {  	_ =	shalt  }
0x5e: {  	_ =	shalt  }
0x5f: {  	_ =	shalt  }
0x60: {  	_ =	shalt  }
0x61: {  	_ =	shalt  }
0x62: {  	_ =	shalt  }
0x63: {  	_ =	shalt  }
0x64: {  	_ =	shalt  }
0x65: {  	_ =	shalt  }
0x66: {  	_ =	shalt  }
0x67: {  	_ =	shalt  }
0x68: {  	_ =	shalt  }
0x69: {  	_ =	shalt  }
0x6a: {  	_ =	shalt  }
0x6b: {  	_ =	shalt  }
0x6c: {  	_ =	shalt  }
0x6d: {  	_ =	shalt  }
0x6e: {  	_ =	shalt  }
0x6f: {  	_ =	shalt  }
0x70: {  	_ =	shalt  }
0x71: {  	_ =	shalt  }
0x72: {  	_ =	shalt  }
0x73: {  	_ =	shalt  }
0x74: {  	_ =	shalt  }
0x75: {  	_ =	shalt  }
0x76: {  	_ =	shalt  }
0x77: {  	_ =	shalt  }
0x78: {  	_ =	shalt  }
0x79: {  	_ =	shalt  }
0x7a: {  	_ =	shalt  }
0x7b: {  	_ =	shalt  }
0x7c: {  	_ =	shalt  }
0x7d: {  	_ =	shalt  }
0x7e: {  	_ =	shalt  }
0x7f: {  	_ =	shalt  }
0x80: {  	_ =	shalt  }
0x81: {  	_ =	shalt  }
0x82: {  	_ =	shalt  }
0x83: {  	_ =	shalt  }
0x84: {  	_ =	shalt  }
0x85: {  	_ =	shalt  }
0x86: {  	_ =	shalt  }
0x87: {  	_ =	shalt  }
.Lfunc_end0:
.L_simem_size_0:
called_computation_lowered:
.L_overlay_start_0:
0x88: {  	s2 =	sld [smem:$0x3FD9]  }
0x89: {  	s3 =	sld [smem:$0x3FFE];
	_ =	sdelay $0x1  }
0x8a: {  	s1 =	srdreg.scid  }
0x8b: {  	s0 =	sand.u32 $0x1, s1  }
0x8c: {  	s17 =	sshll.u32 s0, $0xA;
	s2 =	sadd.s32 s3, s2  }
0x8d: {  	s2 =	sadd.s32 s2, s17  }
0x8e: {  	[smem:$0x3FC6] =	sst s2  }
0x8f: {  	_ = 	snop  }
0x90: {  	s2 =	sld [smem:$0x3FC8]  }
0x91: {  	s18 =	sld [smem:$0x3FD0];
	(tm) =	ssettm $0x1  }
0x92: {  	s4 =	sld [smem:$0x3FFB];
	_ =	sdelay $0x3  }
0x93: {  	_ =	strace s4  }
0x94: {  	s4 =	sld [smem:$0x3FFC];
	_ =	sdelay $0x3  }
0x95: {  	_ =	strace s4  }
0x96: {  	s4 =	sld [smem:$0x3FFD];
	_ =	sdelay $0x3  }
0x97: {  	_ =	strace s4  }
0x98: {  	_ =	strace $0x8FFFFFFF  }
0x99: {  	s19 =	sld [smem:$0x3FDB];
	_ =	sdelay $0x1  }
0x9a: {  	s5 =	simm.s32 $_scs_section_size  }
0x9b: {  	s6 =	simm.s32 $_size__tile_overlayer_lowered;
	s7 =	simm.s32 $_tile_overlayer_lowered  }
0x9c: {  	s22 =	simm.s32 $0x1BFF;
	s21 =	sshll.u32 s7, $0x1;
	s4 =	sadd.s32 s5, s19  }
0x9d: {  	s8 =	simm.s32 $0x0;
	s20 =	sshll.u32 s6, $0x1;
	s6 =	sadd.s32 s21, s4  }
0x9e: {  	[timem:s8], [sflag:s22] =	dma.local [hbm:s6], s20  }
0x9f: {  	_ =	swait.ge [sflag:s22], s20  }
0xa0: {  	s5 =	ssub.s32 $0x0, s20;
	[sflag:s22] =	ssyncset.done $0x0  }
0xa1: {  	[sflag:s22] =	ssyncadd.s32 s5;
	_ =	sdelay $0x1  }
0xa2: {  	s23 =	simm.s32 $0x1B8B  }
0xa3: {  	_ =	swait.ge [sflag:s23], $0x1  }
0xa4: {  	[sflag:s23] =	ssyncset.done $0x0  }
0xa5: {  	s25 =	simm.s32 $0x1B8E;
	s24 =	sld [smem:$0x3FFE];
	[sflag:s23] =	ssyncadd.s32 $0xFFFFFFFF  }
0xa6: {  	s26 =	simm.s32 $execute0_lowered;
	[smem:$0x3FD2] =	sst s25  }
0xa7: {  	s6 =	sshll.u32 s26, $0x1;
	_ =	strace $0x80000046;
	[dreg:$0x1] =	wrdreg $0xFFFFFFFF  }
0xa8: {  	s28 =	simm.s32 $_size_execute0_lowered;
	s4 =	sadd.s32 s4, s6;
	[dreg:$0x0] =	wrdreg $0x0  }
0xa9: {  	s6 =	sshll.u32 s28, $0x1;
	[dreg:$0x2] =	wrdreg s4  }
0xaa: {  	[dreg:$0x3] =	wrdreg s6  }
0xab: {  	[dreg:$0x4] =	wrdreg $0xC0  }
0xac: {  	_ =	task [dreg:s8], $0x5FFFF  }
0xad: {  	[dreg:$0x1] =	wrdreg $0xFFFFFFFF  }
0xae: {  	[dreg:$0x0] =	wrdreg $0x60  }
0xaf: {  	[dreg:$0x2] =	wrdreg s2  }
0xb0: {  	[dreg:$0x3] =	wrdreg s24  }
0xb1: {  	[dreg:$0x4] =	wrdreg s18  }
0xb2: {  	[dreg:$0x5] =	wrdreg $0x9  }
0xb3: {  	_ =	task.clear_ibuf [dreg:s8], $0x6FFFF;
	_ =	strace $0x90000046  }
0xb4: {  	s29 =	simm.s32 $0x9;
	_ =	strace $0x80000048  }
0xb5: {  	_ =	swait.ge [sflag:s29], $0x1  }
0xb6: {  	[sflag:s29] =	ssyncadd.s32 $0xFFFFFFFF  }
0xb7: {  	_ =	strace $0x90000048  }
0xb8: {  	_ =	sfence  }
0xb9: {  	s30 =	sld [smem:$0x0];
	_ =	sdelay $0x2  }
0xba: {  	s31 =	sshll.u32 s1, $0xD;
	s1 =	sshrl.u32 s1, $0x2  }
0xbb: {  	s3 =	sand.u32 $0x4000, s31;
	s1 =	sadd.s32 s1, s30  }
0xbc: {  	s0 =	sor.u32 s3, s0;
	s1 =	sshll.u32 s1, $0x11  }
0xbd: {  	s0 =	sor.u32 s1, s0  }
0xbe: {  	s0 =	sadd.s32 $0x8F2B, s0  }
0xbf: {  	[sflag:s0] =	ssyncadd.remote.s32 $0x1  }
0xc0: {  	_ =	sfence.sel $0xFFFF  }
0xc1: {  	[dreg:$0x0] =	wrdreg $0xFFFFFFFF;
	(pc) =	sbr.abs _section_cstart, $3  }
0xc2: {  	[dreg:$0x1] =	wrdreg $0xFFFFFFFF  }
0xc3: {  	_ =	task.clear_ibuf [dreg:s8], $0x2FFFF;
	_ =	strace $0x9FFFFFFF  }
0xc4: {  	(tm) =	ssettm $0x7FFFFFFF  }
0xc5: {  	_ =	shalt  }
tec
execute0_lowered:
.L_overlay_start_1:
0x0: {  	(tag) =	ssettag $0x1  }
0x1: {  	s1 =	rddreg [dreg:$0x0]  }
0x2: {  	s4 =	rddreg [dreg:$0x1]  }
0x3: {  	s9 =	rddreg [dreg:$0x2]  }
0x4: {  	s0 =	rddreg [dreg:$0x3];
	s5 =	srdreg.scid  }
0x5: {  	s2 =	stileid.u32;
	s3 =	simm.s32 $0x0;
	s16 =	simm.s32 $0xCC00  }
0x6: {  	s17 =	simm.s32 $0x1;
	s18 =	simm.s32 $0x3;
	s19 =	simm.s32 $0x2  }
0x7: {  	s20 =	simm.s32 $0x4;
	s21 =	simm.s32 $0x0;
	s12 =	smul.u32 $0x320000, s2  }
0x8: {  	s8 =	sand.u32 $0x1, s5;
	s25 =	sshll.u32 s2, $0x1;
	s13 =	smul.u32 $0x32000, s2  }
0x9: {  	[smem:$0x7FF] =	sst s3;
	s11 =	sadd.s32 $0x400, s4;
	s14 =	smul.u32 $0x19000, s8  }
0xa: {  	s5 =	sor.u32 s8, s25;
	s6 =	ssub.s32 $0x2, s8;
	s15 =	smul.u32 $0x190000, s8  }
0xb: {  	_ =	strace $0x80000047;
	s7 =	smul.u32 $0xC80000, s5;
	s26 =	sshrl.u32 s6, $0x1  }
0xc: {  	s5 =	smul.u32 $0x19000, s5;
	s10 =	ssub.s32 s6, s26;
	s29 =	sadd.s32 s14, s13  }
0xd: {  	s13 =	simm.s32 $0x190;
	s14 =	simm.s32 $0x400;
	s28 =	sshrl.u32 s7, $0x3  }
0xe: {  	s5 =	sshrl.u32 s5, $0x3;
	s8 =	smax.u32 s10, $0x1;
	s30 =	sor.u32 $0x4B0, s29  }
0xf: {  	s10 =	sor.u32 $0x320, s29;
	s7 =	sadd.s32 s9, s28;
	s4 =	sadd.s32 s11, s5  }
0x10: {  	s9 =	sadd.s32 s12, s9;
	s12 =	sshrl.u32 s30, $0x3;
	s5 =	sadd.s32 $0x18CE00, s7  }
0x11: {  	s31 =	sshrl.u32 s10, $0x3;
	s6 =	sadd.s32 $0x32, s4;
	s7 =	sadd.s32 $0x18E700, s7  }
0x12: {  	s9 =	sadd.s32 s15, s9;
	s10 =	sadd.s32 s12, s11;
	s11 =	sadd.s32 s31, s11  }
0x13: {  	s12 =	simm.s32 $0x5;
	s15 =	simm.s32 $0x200;
	s9 =	sadd.s32 $0x1900, s9  }
.LBB2_1:
0x14: {  	[tilespmem:s3], [sflag:$0x5] =	stream.linear.gather [hbm4b:s4+s3], $0x190, $0x38;
	[tilespmem:$0x19400] =	vst v63  }
0x15: {  	_ =	swait.ge [sflag:s12], $0x190  }
0x16: {  	[sflag:s12] =	ssyncset.done $0x0  }
0x17: {  	[sflag:s12] =	ssyncadd.s32 $0xFFFFFE70  }
0x18: {  	[tilespmem:s14], [sflag:$0x1] =	stream.indirect.gather [hbm4b:s1+s13], $0x80, s3, s13, $0xb8;
	[tilespmem:$0x19400] =	vst v63  }
0x19: {  	_ = 	snop  }
0x1a: {  	[tilespmem:s15], [sflag:$0x5] =	stream.linear.gather [hbm4b:s6+s3], $0x190, $0x38;
	[tilespmem:$0x19400] =	vst v63  }
0x1b: {  	_ =	swait.ge [sflag:s12], $0x190  }
0x1c: {  	[sflag:s12] =	ssyncset.done $0x0  }
0x1d: {  	[sflag:s12] =	ssyncadd.s32 $0xFFFFFE70  }
0x1e: {  	[tilespmem:s16], [sflag:$0x2] =	stream.indirect.gather [hbm4b:s1+s13], $0x80, s15, s13, $0xb8;
	[tilespmem:$0x19400] =	vst v63  }
0x1f: {  	_ =	swait.ge [sflag:s17], $0xC800  }
0x20: {  	[sflag:s17] =	ssyncset.done $0x0  }
0x21: {  	s22 =	sadd.s32 $0xFFFFE700, s9;
	[sflag:s17] =	ssyncadd.s32 $0xFFFF3800  }
0x22: {  	[hbm4b:s22+s3] =	stream.linear.scatter [tilespmem:s14], [sflag:$0x3], $0xC800, $0x38;
	[tilespmem:$0x19400] =	vst v63  }
0x23: {  	s30 =	sadd.s32 $0x0, s11  }
0x24: {  	[tilespmem:s3], [sflag:$0x5] =	stream.linear.gather [hbm4b:s30+s3], $0x190, $0x38;
	[tilespmem:$0x19400] =	vst v63  }
0x25: {  	_ =	swait.ge [sflag:s12], $0x190  }
0x26: {  	[sflag:s12] =	ssyncset.done $0x0  }
0x27: {  	[sflag:s12] =	ssyncadd.s32 $0xFFFFFE70  }
0x28: {  	_ =	swait.ge [sflag:s18], $0xC800  }
0x29: {  	[sflag:s18] =	ssyncset.done $0x0  }
0x2a: {  	[sflag:s18] =	ssyncadd.s32 $0xFFFF3800  }
0x2b: {  	[tilespmem:s14], [sflag:$0x1] =	stream.indirect.gather [hbm4b:s1+s13], $0x80, s3, s13, $0xb8;
	[tilespmem:$0x19400] =	vst v63  }
0x2c: {  	_ =	swait.ge [sflag:s19], $0xC800  }
0x2d: {  	[sflag:s19] =	ssyncset.done $0x0  }
0x2e: {  	[sflag:s19] =	ssyncadd.s32 $0xFFFF3800  }
0x2f: {  	[hbm4b:s9+s3] =	stream.linear.scatter [tilespmem:s16], [sflag:$0x4], $0xC800, $0x38;
	[tilespmem:$0x19400] =	vst v63  }
0x30: {  	s31 =	sadd.s32 $0x0, s10  }
0x31: {  	[tilespmem:s15], [sflag:$0x5] =	stream.linear.gather [hbm4b:s31+s3], $0x190, $0x38;
	[tilespmem:$0x19400] =	vst v63  }
0x32: {  	_ =	swait.ge [sflag:s12], $0x190  }
0x33: {  	[sflag:s12] =	ssyncset.done $0x0  }
0x34: {  	[sflag:s12] =	ssyncadd.s32 $0xFFFFFE70  }
0x35: {  	_ =	swait.ge [sflag:s20], $0xC800  }
0x36: {  	[sflag:s20] =	ssyncset.done $0x0  }
0x37: {  	s23 =	sadd.s32 $0x3200, s9;
	s22 =	simm.s32 $0x64;
	[sflag:s20] =	ssyncadd.s32 $0xFFFF3800  }
.LBB2_2:
0x38: {  	[tilespmem:s16], [sflag:$0x2] =	stream.indirect.gather [hbm4b:s1+s13], $0x80, s15, s13, $0xb8;
	[tilespmem:$0x19400] =	vst v63  }
0x39: {  	s24 =	smov.u32 s22  }
0x3a: {  	p0 =	sne.s32 s22, $0x3138;
	s22 =	sadd.s32 $0x64, s22;
	_ =	swait.ge [sflag:s17], $0xC800  }
0x3b: {  	[sflag:s17] =	ssyncset.done $0x0  }
0x3c: {  	s25 =	sadd.s32 $0xFFFFE700, s23;
	[sflag:s17] =	ssyncadd.s32 $0xFFFF3800  }
0x3d: {  	[hbm4b:s25+s3] =	stream.linear.scatter [tilespmem:s14], [sflag:$0x3], $0xC800, $0x38;
	[tilespmem:$0x19400] =	vst v63  }
0x3e: {  	s25 =	sadd.s32 s24, s11  }
0x3f: {  	[tilespmem:s3], [sflag:$0x5] =	stream.linear.gather [hbm4b:s25+s3], $0x190, $0x38;
	[tilespmem:$0x19400] =	vst v63  }
0x40: {  	_ =	swait.ge [sflag:s12], $0x190  }
0x41: {  	[sflag:s12] =	ssyncset.done $0x0  }
0x42: {  	[sflag:s12] =	ssyncadd.s32 $0xFFFFFE70  }
0x43: {  	_ =	swait.ge [sflag:s18], $0xC800  }
0x44: {  	[sflag:s18] =	ssyncset.done $0x0  }
0x45: {  	[sflag:s18] =	ssyncadd.s32 $0xFFFF3800  }
0x46: {  	[tilespmem:s14], [sflag:$0x1] =	stream.indirect.gather [hbm4b:s1+s13], $0x80, s3, s13, $0xb8;
	[tilespmem:$0x19400] =	vst v63  }
0x47: {  	_ =	swait.ge [sflag:s19], $0xC800  }
0x48: {  	[sflag:s19] =	ssyncset.done $0x0  }
0x49: {  	[sflag:s19] =	ssyncadd.s32 $0xFFFF3800  }
0x4a: {  	[hbm4b:s23+s3] =	stream.linear.scatter [tilespmem:s16], [sflag:$0x4], $0xC800, $0x38;
	[tilespmem:$0x19400] =	vst v63  }
0x4b: {  	s24 =	sadd.s32 s24, s10  }
0x4c: {  	[tilespmem:s15], [sflag:$0x5] =	stream.linear.gather [hbm4b:s24+s3], $0x190, $0x38;
	[tilespmem:$0x19400] =	vst v63  }
0x4d: {  	_ =	swait.ge [sflag:s12], $0x190  }
.Ltmp0:
0x4e: {  	[sflag:s12] =	ssyncset.done $0x0;
	(pc) =	sbr.rel @p0 .LBB2_2-.Ltmp0, $4  }
0x4f: {  	[sflag:s12] =	ssyncadd.s32 $0xFFFFFE70  }
0x50: {  	_ =	swait.ge [sflag:s20], $0xC800  }
0x51: {  	[sflag:s20] =	ssyncset.done $0x0  }
0x52: {  	s23 =	sadd.s32 $0x3200, s23;
	[sflag:s20] =	ssyncadd.s32 $0xFFFF3800  }
0x53: {  	[tilespmem:s16], [sflag:$0x2] =	stream.indirect.gather [hbm4b:s1+s13], $0x80, s15, s13, $0xb8;
	[tilespmem:$0x19400] =	vst v63  }
0x54: {  	_ =	swait.ge [sflag:s17], $0xC800  }
0x55: {  	[sflag:s17] =	ssyncset.done $0x0  }
0x56: {  	[sflag:s17] =	ssyncadd.s32 $0xFFFF3800  }
0x57: {  	[hbm4b:s5+s3] =	stream.linear.scatter [tilespmem:s14], [sflag:$0x5], $0xC800, $0x38;
	[tilespmem:$0x19400] =	vst v63  }
0x58: {  	_ =	swait.ge [sflag:s12], $0xC800  }
0x59: {  	[sflag:s12] =	ssyncset.done $0x0  }
0x5a: {  	[sflag:s12] =	ssyncadd.s32 $0xFFFF3800  }
0x5b: {  	s21 =	sadd.s32 $0x1, s21;
	_ =	swait.ge [sflag:s19], $0xC800  }
0x5c: {  	p0 =	sne.s32 s21, s8;
	[sflag:s19] =	ssyncset.done $0x0  }
.Ltmp1:
0x5d: {  	[sflag:s19] =	ssyncadd.s32 $0xFFFF3800;
	(pc) =	sbr.rel @p0 .LBB2_1-.Ltmp1, $4  }
0x5e: {  	[hbm4b:s7+s3] =	stream.linear.scatter [tilespmem:s16], [sflag:$0x5], $0xC800, $0x38;
	[tilespmem:$0x19400] =	vst v63  }
0x5f: {  	_ =	swait.ge [sflag:s12], $0xC800  }
0x60: {  	[sflag:s12] =	ssyncset.done $0x0  }
0x61: {  	[sflag:s12] =	ssyncadd.s32 $0xFFFF3800  }
0x62: {  	_ =	sfence.sel $0x180000  }
0x63: {  	[bflag:$0x0] =	sbarrier.arrive $0xFFFF  }
0x64: {  	p0 =	sne.s32 s2, $0x0;
	_ =	strace $0x90000047  }
0x65: {  	s0 =	sadd.s32 @!p0 $0x100000, s0;
	[bflag:$0x2] =	sbarrier.arrive $0xFFFF  }
0x66: {  	[sflag:s0] =	ssyncadd.tile.s32 @!p0 $0x1;
	_ =	shalt  }
.Lfunc_end2:
_tile_overlayer_lowered:
.L_overlay_start_2:
0x67: {  	(tag) =	ssettag $0x2  }
0x68: {  	s0 =	rddreg [dreg:$0x0];
	s2 =	stileid.u32  }
0x69: {  	s1 =	rddreg [dreg:$0x1];
	p0 =	sne.s32 s2, $0x0  }
0x6a: {  	s3 =	rddreg [dreg:$0x2];
	[bflag:$0x3] =	sbarrier.arrive $0xFFFF;
	s2 =	simm.s32 @!p0 $0x1C05  }
0x6b: {  	[timem:s3], [sflag:s2] =	dma.local @!p0 [hbm:s0], s1  }
0x6c: {  	s0 =	simm.s32 @!p0 $0x5  }
0x6d: {  	_ =	swait.ge @!p0 [sflag:s0], s1  }
0x6e: {  	s1 =	ssub.s32 @!p0 $0x0, s1;
	[sflag:s0] =	ssyncset.done @!p0 $0x0  }
0x6f: {  	[sflag:s0] =	ssyncadd.s32 @!p0 s1  }
0x70: {  	[bflag:$0x3] =	sbarrier.arrive $0xFFFF  }
0x71: {  	_ =	shalt  }

</sc_bundles>
